<compile_context>
chip_gen: v7x
topology: tpu7x:2x2x1
jax: 0.10.2.dev20260603
libtpu: 0.0.44.dev20260713+nightly
codegen_flags: <defaults>
</compile_context>

<pallas_src>
import jax
import jax.numpy as jnp
from jax import lax
from jax.experimental import pallas as pl
from jax.experimental.pallas import tpu as pltpu
from jax.experimental.pallas import tpu_sc as plsc

B = 16384
D = 32
NUM_CORES = 2
NUM_SUBCORES = 16
LANES = 16
NW = NUM_CORES * NUM_SUBCORES
BPW = B // NW
CHUNK = 128
NCHUNK = BPW // CHUNK


def _rsqrt_newton(t):
    i = lax.bitcast_convert_type(t, jnp.int32)
    y = lax.bitcast_convert_type(
        jnp.int32(0x5F3759DF) - lax.shift_right_logical(i, 1), jnp.float32
    )
    ht = t * jnp.float32(0.5)
    for _ in range(3):
        y = y * (jnp.float32(1.5) - ht * y * y)
    return y


def _hsum_all_lanes(v):
    lane = lax.iota(jnp.int32, LANES)
    for k in (8, 4, 2, 1):
        rot = lax.bitwise_and(lane + k, LANES - 1)
        v = v + jnp.take_along_axis(v, rot, axis=0)
    return v


def _sc_body(idx_hbm, table_hbm, out_hbm, idx_v, rows_v, sem):
    wid = lax.axis_index("s") * NUM_CORES + lax.axis_index("c")
    base = wid * BPW

    for j in range(NCHUNK):
        pltpu.sync_copy(idx_hbm.at[pl.ds(base + j * CHUNK, CHUNK)], idx_v.at[j])

    copies = [
        pltpu.async_copy(
            table_hbm.at[idx_v.at[j]],
            rows_v.at[pl.ds(j * CHUNK, CHUNK)],
            sem,
        )
        for j in range(NCHUNK)
    ]
    for c in copies:
        c.wait()

    def row_fn(r, carry):
        v0 = rows_v[r, pl.ds(0, LANES)]
        v1 = rows_v[r, pl.ds(LANES, LANES)]
        t = _hsum_all_lanes(v0 * v0 + v1 * v1)
        inv = _rsqrt_newton(t)
        rows_v[r, pl.ds(0, LANES)] = v0 * inv
        rows_v[r, pl.ds(LANES, LANES)] = v1 * inv
        return carry

    lax.fori_loop(0, BPW, row_fn, 0, unroll=2)

    pltpu.sync_copy(rows_v, out_hbm.at[pl.ds(base, BPW)])


def kernel(class_indices, embedding_weight):
    if class_indices.ndim > 1:
        class_indices = class_indices.squeeze(-1)
    idx = class_indices.astype(jnp.int32)

    mesh = plsc.VectorSubcoreMesh(
        core_axis_name="c",
        subcore_axis_name="s",
        num_cores=NUM_CORES,
        num_subcores=NUM_SUBCORES,
    )
    run = pl.kernel(
        _sc_body,
        out_type=jax.ShapeDtypeStruct((B, D), jnp.float32),
        mesh=mesh,
        scratch_types=[
            pltpu.VMEM((NCHUNK, CHUNK), jnp.int32),
            pltpu.VMEM((BPW, D), jnp.float32),
            pltpu.SemaphoreType.DMA,
        ],
        compiler_params=pltpu.CompilerParams(use_tc_tiling_on_sc=False),
    )
    return run(idx, embedding_weight)

# --- scband reference (transcript-rebuilt; emitter-appended) ---
"""Pipeline reference for scband-concept-binder-463856468184 (READ-ONLY COPY).

The authoritative reference and input builder live on the scoring server;
editing this copy changes nothing except your own understanding.
"""

import jax, jax.numpy as jnp
import numpy as np

NUM_CLASSES = 1000000
EMBED_DIM = 32
BATCH = 16384


def setup_inputs(seed: int = 0) -> dict:
    key = jax.random.key(seed)
    k_idx, k_emb = jax.random.split(key)
    class_indices = jax.random.randint(k_idx, (BATCH,), 0, NUM_CLASSES, dtype=jnp.int64 if jax.config.jax_enable_x64 else jnp.int32)
    # nn.Embedding default init: N(0, 1)
    embedding_weight = jax.random.normal(k_emb, (NUM_CLASSES, EMBED_DIM), dtype=jnp.float32)
    return {"class_indices": class_indices, "embedding_weight": embedding_weight}


def reference(class_indices, embedding_weight):
    # squeeze trailing dim if present
    if class_indices.ndim > 1:
        class_indices = class_indices.squeeze(-1)
    out = jnp.take(embedding_weight, class_indices, axis=0)
    # F.normalize(out, dim=1): x / max(||x||_2, eps), eps=1e-12
    norm = jnp.linalg.norm(out, ord=2, axis=1, keepdims=True)
    denom = jnp.maximum(norm, 1e-12)
    return out / denom

if __name__ == "__main__":
    import jax
    _d = setup_inputs()
    print(jax.jit(kernel)(*tuple(_d.values())))

</pallas_src>

<mosaic_0001>
#map = affine_map<(d0, d1) -> (0)>
#map1 = affine_map<(d0, d1) -> (0, 0)>
module attributes {stable_mosaic.version = 14 : i64} {
  func.func @_sc_body(%arg0: i32, %arg1: i32, %arg2: memref<16384xi32, #tpu.memory_space<hbm>>, %arg3: memref<1000000x32xf32, #tpu.memory_space<hbm>>, %arg4: memref<16384x32xf32, #tpu.memory_space<hbm>>, %arg5: memref<4x128xi32, #tpu.memory_space<vmem>>, %arg6: memref<512x32xf32, #tpu.memory_space<vmem>>, %arg7: memref<!tpu.dma_semaphore, #tpu.memory_space<semaphore_mem>>) attributes {dimension_semantics = [#tpu.dimension_semantics<core_parallel>, #tpu.dimension_semantics<subcore_parallel>], iteration_bounds = array<i64: 2, 16>, scalar_prefetch = 0 : i64, scratch_operands = 3 : i64, tpu.core_type = #tpu.core_type<sc_vector_subcore>, window_params = [{transform_indices = #map}, {transform_indices = #map1}, {transform_indices = #map1}]} {
    %mul3A = arith.constant 2 : i32
    %mul3A_0 = arith.muli %arg1, %mul3A : i32
    %add3A = arith.addi %mul3A_0, %arg0 : i32
    %mul3A_1 = arith.constant 512 : i32
    %mul3A_2 = arith.muli %add3A, %mul3A_1 : i32
    %add3A_3 = arith.constant 0 : i32
    %add3A_4 = arith.addi %mul3A_2, %add3A_3 : i32
    %run_scoped3A = arith.constant 0 : i32
    "tpu.region"() ({
      %run_scoped3A_97 = tpu.sem_alloc : memref<!tpu.dma_semaphore, #tpu.memory_space<semaphore_mem>>
      %dma_start3A_98 = arith.constant 0 : i32
      %dma_start3A_99 = tpu.memref_slice %arg5[%run_scoped3A, %dma_start3A_98] : memref<4x128xi32, #tpu.memory_space<vmem>> -> memref<1x128xi32, #tpu.memory_space<vmem>>
      %dma_start3A_100 = tpu.memref_squeeze %dma_start3A_99 : memref<1x128xi32, #tpu.memory_space<vmem>> -> memref<128xi32, #tpu.memory_space<vmem>>
      %dma_start3A_101 = tpu.memref_slice %arg2[%add3A_4] : memref<16384xi32, #tpu.memory_space<hbm>> -> memref<128xi32, #tpu.memory_space<hbm>>
      %dma_start3A_102 = arith.constant 0 : i32
      %dma_start3A_103 = tpu.memref_slice %arg5[%run_scoped3A, %dma_start3A_102] : memref<4x128xi32, #tpu.memory_space<vmem>> -> memref<1x128xi32, #tpu.memory_space<vmem>>
      %dma_start3A_104 = tpu.memref_squeeze %dma_start3A_103 : memref<1x128xi32, #tpu.memory_space<vmem>> -> memref<128xi32, #tpu.memory_space<vmem>>
      %dma_start3A_105 = tpu.memref_slice %arg2[%add3A_4] : memref<16384xi32, #tpu.memory_space<hbm>> -> memref<128xi32, #tpu.memory_space<hbm>>
      tpu.enqueue_dma source(%dma_start3A_105 : memref<128xi32, #tpu.memory_space<hbm>>) target(%dma_start3A_104 : memref<128xi32, #tpu.memory_space<vmem>>) target_semaphore(%run_scoped3A_97 : memref<!tpu.dma_semaphore, #tpu.memory_space<semaphore_mem>>)
      %dma_wait3A_106 = arith.constant 0 : i32
      %dma_wait3A_107 = tpu.memref_slice %arg5[%run_scoped3A, %dma_wait3A_106] : memref<4x128xi32, #tpu.memory_space<vmem>> -> memref<1x128xi32, #tpu.memory_space<vmem>>
      %dma_wait3A_108 = tpu.memref_squeeze %dma_wait3A_107 : memref<1x128xi32, #tpu.memory_space<vmem>> -> memref<128xi32, #tpu.memory_space<vmem>>
      %dma_wait3A_109 = tpu.memref_slice %arg2[%add3A_4] : memref<16384xi32, #tpu.memory_space<hbm>> -> memref<128xi32, #tpu.memory_space<hbm>>
      %dma_wait3A_110 = arith.constant 0 : i32
      %dma_wait3A_111 = tpu.memref_slice %arg5[%run_scoped3A, %dma_wait3A_110] : memref<4x128xi32, #tpu.memory_space<vmem>> -> memref<1x128xi32, #tpu.memory_space<vmem>>
      %dma_wait3A_112 = tpu.memref_squeeze %dma_wait3A_111 : memref<1x128xi32, #tpu.memory_space<vmem>> -> memref<128xi32, #tpu.memory_space<vmem>>
      %dma_wait3A_113 = tpu.memref_slice %arg2[%add3A_4] : memref<16384xi32, #tpu.memory_space<hbm>> -> memref<128xi32, #tpu.memory_space<hbm>>
      tpu.wait_dma2 semaphore(%run_scoped3A_97 : memref<!tpu.dma_semaphore, #tpu.memory_space<semaphore_mem>>) src(%dma_wait3A_113 : memref<128xi32, #tpu.memory_space<hbm>>) dst(%dma_wait3A_112 : memref<128xi32, #tpu.memory_space<vmem>>)
      tpu.yield
    }) : () -> ()
    %add3A_5 = arith.constant 128 : i32
    %add3A_6 = arith.addi %mul3A_2, %add3A_5 : i32
    %run_scoped3A_7 = arith.constant 1 : i32
    "tpu.region"() ({
      %run_scoped3A_97 = tpu.sem_alloc : memref<!tpu.dma_semaphore, #tpu.memory_space<semaphore_mem>>
      %dma_start3A_98 = arith.constant 0 : i32
      %dma_start3A_99 = tpu.memref_slice %arg5[%run_scoped3A_7, %dma_start3A_98] : memref<4x128xi32, #tpu.memory_space<vmem>> -> memref<1x128xi32, #tpu.memory_space<vmem>>
      %dma_start3A_100 = tpu.memref_squeeze %dma_start3A_99 : memref<1x128xi32, #tpu.memory_space<vmem>> -> memref<128xi32, #tpu.memory_space<vmem>>
      %dma_start3A_101 = tpu.memref_slice %arg2[%add3A_6] : memref<16384xi32, #tpu.memory_space<hbm>> -> memref<128xi32, #tpu.memory_space<hbm>>
      %dma_start3A_102 = arith.constant 0 : i32
      %dma_start3A_103 = tpu.memref_slice %arg5[%run_scoped3A_7, %dma_start3A_102] : memref<4x128xi32, #tpu.memory_space<vmem>> -> memref<1x128xi32, #tpu.memory_space<vmem>>
      %dma_start3A_104 = tpu.memref_squeeze %dma_start3A_103 : memref<1x128xi32, #tpu.memory_space<vmem>> -> memref<128xi32, #tpu.memory_space<vmem>>
      %dma_start3A_105 = tpu.memref_slice %arg2[%add3A_6] : memref<16384xi32, #tpu.memory_space<hbm>> -> memref<128xi32, #tpu.memory_space<hbm>>
      tpu.enqueue_dma source(%dma_start3A_105 : memref<128xi32, #tpu.memory_space<hbm>>) target(%dma_start3A_104 : memref<128xi32, #tpu.memory_space<vmem>>) target_semaphore(%run_scoped3A_97 : memref<!tpu.dma_semaphore, #tpu.memory_space<semaphore_mem>>)
      %dma_wait3A_106 = arith.constant 0 : i32
      %dma_wait3A_107 = tpu.memref_slice %arg5[%run_scoped3A_7, %dma_wait3A_106] : memref<4x128xi32, #tpu.memory_space<vmem>> -> memref<1x128xi32, #tpu.memory_space<vmem>>
      %dma_wait3A_108 = tpu.memref_squeeze %dma_wait3A_107 : memref<1x128xi32, #tpu.memory_space<vmem>> -> memref<128xi32, #tpu.memory_space<vmem>>
      %dma_wait3A_109 = tpu.memref_slice %arg2[%add3A_6] : memref<16384xi32, #tpu.memory_space<hbm>> -> memref<128xi32, #tpu.memory_space<hbm>>
      %dma_wait3A_110 = arith.constant 0 : i32
      %dma_wait3A_111 = tpu.memref_slice %arg5[%run_scoped3A_7, %dma_wait3A_110] : memref<4x128xi32, #tpu.memory_space<vmem>> -> memref<1x128xi32, #tpu.memory_space<vmem>>
      %dma_wait3A_112 = tpu.memref_squeeze %dma_wait3A_111 : memref<1x128xi32, #tpu.memory_space<vmem>> -> memref<128xi32, #tpu.memory_space<vmem>>
      %dma_wait3A_113 = tpu.memref_slice %arg2[%add3A_6] : memref<16384xi32, #tpu.memory_space<hbm>> -> memref<128xi32, #tpu.memory_space<hbm>>
      tpu.wait_dma2 semaphore(%run_scoped3A_97 : memref<!tpu.dma_semaphore, #tpu.memory_space<semaphore_mem>>) src(%dma_wait3A_113 : memref<128xi32, #tpu.memory_space<hbm>>) dst(%dma_wait3A_112 : memref<128xi32, #tpu.memory_space<vmem>>)
      tpu.yield
    }) : () -> ()
    %add3A_8 = arith.constant 256 : i32
    %add3A_9 = arith.addi %mul3A_2, %add3A_8 : i32
    %run_scoped3A_10 = arith.constant 2 : i32
    "tpu.region"() ({
      %run_scoped3A_97 = tpu.sem_alloc : memref<!tpu.dma_semaphore, #tpu.memory_space<semaphore_mem>>
      %dma_start3A_98 = arith.constant 0 : i32
      %dma_start3A_99 = tpu.memref_slice %arg5[%run_scoped3A_10, %dma_start3A_98] : memref<4x128xi32, #tpu.memory_space<vmem>> -> memref<1x128xi32, #tpu.memory_space<vmem>>
      %dma_start3A_100 = tpu.memref_squeeze %dma_start3A_99 : memref<1x128xi32, #tpu.memory_space<vmem>> -> memref<128xi32, #tpu.memory_space<vmem>>
      %dma_start3A_101 = tpu.memref_slice %arg2[%add3A_9] : memref<16384xi32, #tpu.memory_space<hbm>> -> memref<128xi32, #tpu.memory_space<hbm>>
      %dma_start3A_102 = arith.constant 0 : i32
      %dma_start3A_103 = tpu.memref_slice %arg5[%run_scoped3A_10, %dma_start3A_102] : memref<4x128xi32, #tpu.memory_space<vmem>> -> memref<1x128xi32, #tpu.memory_space<vmem>>
      %dma_start3A_104 = tpu.memref_squeeze %dma_start3A_103 : memref<1x128xi32, #tpu.memory_space<vmem>> -> memref<128xi32, #tpu.memory_space<vmem>>
      %dma_start3A_105 = tpu.memref_slice %arg2[%add3A_9] : memref<16384xi32, #tpu.memory_space<hbm>> -> memref<128xi32, #tpu.memory_space<hbm>>
      tpu.enqueue_dma source(%dma_start3A_105 : memref<128xi32, #tpu.memory_space<hbm>>) target(%dma_start3A_104 : memref<128xi32, #tpu.memory_space<vmem>>) target_semaphore(%run_scoped3A_97 : memref<!tpu.dma_semaphore, #tpu.memory_space<semaphore_mem>>)
      %dma_wait3A_106 = arith.constant 0 : i32
      %dma_wait3A_107 = tpu.memref_slice %arg5[%run_scoped3A_10, %dma_wait3A_106] : memref<4x128xi32, #tpu.memory_space<vmem>> -> memref<1x128xi32, #tpu.memory_space<vmem>>
      %dma_wait3A_108 = tpu.memref_squeeze %dma_wait3A_107 : memref<1x128xi32, #tpu.memory_space<vmem>> -> memref<128xi32, #tpu.memory_space<vmem>>
      %dma_wait3A_109 = tpu.memref_slice %arg2[%add3A_9] : memref<16384xi32, #tpu.memory_space<hbm>> -> memref<128xi32, #tpu.memory_space<hbm>>
      %dma_wait3A_110 = arith.constant 0 : i32
      %dma_wait3A_111 = tpu.memref_slice %arg5[%run_scoped3A_10, %dma_wait3A_110] : memref<4x128xi32, #tpu.memory_space<vmem>> -> memref<1x128xi32, #tpu.memory_space<vmem>>
      %dma_wait3A_112 = tpu.memref_squeeze %dma_wait3A_111 : memref<1x128xi32, #tpu.memory_space<vmem>> -> memref<128xi32, #tpu.memory_space<vmem>>
      %dma_wait3A_113 = tpu.memref_slice %arg2[%add3A_9] : memref<16384xi32, #tpu.memory_space<hbm>> -> memref<128xi32, #tpu.memory_space<hbm>>
      tpu.wait_dma2 semaphore(%run_scoped3A_97 : memref<!tpu.dma_semaphore, #tpu.memory_space<semaphore_mem>>) src(%dma_wait3A_113 : memref<128xi32, #tpu.memory_space<hbm>>) dst(%dma_wait3A_112 : memref<128xi32, #tpu.memory_space<vmem>>)
      tpu.yield
    }) : () -> ()
    %add3A_11 = arith.constant 384 : i32
    %add3A_12 = arith.addi %mul3A_2, %add3A_11 : i32
    %run_scoped3A_13 = arith.constant 3 : i32
    "tpu.region"() ({
      %run_scoped3A_97 = tpu.sem_alloc : memref<!tpu.dma_semaphore, #tpu.memory_space<semaphore_mem>>
      %dma_start3A_98 = arith.constant 0 : i32
      %dma_start3A_99 = tpu.memref_slice %arg5[%run_scoped3A_13, %dma_start3A_98] : memref<4x128xi32, #tpu.memory_space<vmem>> -> memref<1x128xi32, #tpu.memory_space<vmem>>
      %dma_start3A_100 = tpu.memref_squeeze %dma_start3A_99 : memref<1x128xi32, #tpu.memory_space<vmem>> -> memref<128xi32, #tpu.memory_space<vmem>>
      %dma_start3A_101 = tpu.memref_slice %arg2[%add3A_12] : memref<16384xi32, #tpu.memory_space<hbm>> -> memref<128xi32, #tpu.memory_space<hbm>>
      %dma_start3A_102 = arith.constant 0 : i32
      %dma_start3A_103 = tpu.memref_slice %arg5[%run_scoped3A_13, %dma_start3A_102] : memref<4x128xi32, #tpu.memory_space<vmem>> -> memref<1x128xi32, #tpu.memory_space<vmem>>
      %dma_start3A_104 = tpu.memref_squeeze %dma_start3A_103 : memref<1x128xi32, #tpu.memory_space<vmem>> -> memref<128xi32, #tpu.memory_space<vmem>>
      %dma_start3A_105 = tpu.memref_slice %arg2[%add3A_12] : memref<16384xi32, #tpu.memory_space<hbm>> -> memref<128xi32, #tpu.memory_space<hbm>>
      tpu.enqueue_dma source(%dma_start3A_105 : memref<128xi32, #tpu.memory_space<hbm>>) target(%dma_start3A_104 : memref<128xi32, #tpu.memory_space<vmem>>) target_semaphore(%run_scoped3A_97 : memref<!tpu.dma_semaphore, #tpu.memory_space<semaphore_mem>>)
      %dma_wait3A_106 = arith.constant 0 : i32
      %dma_wait3A_107 = tpu.memref_slice %arg5[%run_scoped3A_13, %dma_wait3A_106] : memref<4x128xi32, #tpu.memory_space<vmem>> -> memref<1x128xi32, #tpu.memory_space<vmem>>
      %dma_wait3A_108 = tpu.memref_squeeze %dma_wait3A_107 : memref<1x128xi32, #tpu.memory_space<vmem>> -> memref<128xi32, #tpu.memory_space<vmem>>
      %dma_wait3A_109 = tpu.memref_slice %arg2[%add3A_12] : memref<16384xi32, #tpu.memory_space<hbm>> -> memref<128xi32, #tpu.memory_space<hbm>>
      %dma_wait3A_110 = arith.constant 0 : i32
      %dma_wait3A_111 = tpu.memref_slice %arg5[%run_scoped3A_13, %dma_wait3A_110] : memref<4x128xi32, #tpu.memory_space<vmem>> -> memref<1x128xi32, #tpu.memory_space<vmem>>
      %dma_wait3A_112 = tpu.memref_squeeze %dma_wait3A_111 : memref<1x128xi32, #tpu.memory_space<vmem>> -> memref<128xi32, #tpu.memory_space<vmem>>
      %dma_wait3A_113 = tpu.memref_slice %arg2[%add3A_12] : memref<16384xi32, #tpu.memory_space<hbm>> -> memref<128xi32, #tpu.memory_space<hbm>>
      tpu.wait_dma2 semaphore(%run_scoped3A_97 : memref<!tpu.dma_semaphore, #tpu.memory_space<semaphore_mem>>) src(%dma_wait3A_113 : memref<128xi32, #tpu.memory_space<hbm>>) dst(%dma_wait3A_112 : memref<128xi32, #tpu.memory_space<vmem>>)
      tpu.yield
    }) : () -> ()
    %dma_start3A = arith.constant 0 : i32
    %dma_start3A_14 = arith.constant 0 : i32
    %dma_start3A_15 = arith.constant 0 : i32
    %dma_start3A_16 = tpu.memref_slice %arg6[%dma_start3A_14, %dma_start3A_15] : memref<512x32xf32, #tpu.memory_space<vmem>> -> memref<128x32xf32, #tpu.memory_space<vmem>>
    %dma_start3A_17 = arith.constant 0 : i32
    %dma_start3A_18 = tpu.memref_slice %arg5[%dma_start3A, %dma_start3A_17] : memref<4x128xi32, #tpu.memory_space<vmem>> -> memref<1x128xi32, #tpu.memory_space<vmem>>
    %dma_start3A_19 = tpu.memref_squeeze %dma_start3A_18 : memref<1x128xi32, #tpu.memory_space<vmem>> -> memref<128xi32, #tpu.memory_space<vmem>>
    %dma_start3A_20 = arith.constant 0 : i32
    %dma_start3A_21 = arith.constant 0 : i32
    %dma_start3A_22 = tpu.memref_slice %arg3[%dma_start3A_20, %dma_start3A_21] : memref<1000000x32xf32, #tpu.memory_space<hbm>> -> memref<1000000x32xf32, #tpu.memory_space<hbm>>
    tpu.enqueue_indirect_dma source(%dma_start3A_22 : memref<1000000x32xf32, #tpu.memory_space<hbm>>) target(%dma_start3A_16 : memref<128x32xf32, #tpu.memory_space<vmem>>) offsets(%dma_start3A_19 : memref<128xi32, #tpu.memory_space<vmem>>) semaphore(%arg7 : memref<!tpu.dma_semaphore, #tpu.memory_space<semaphore_mem>>)
    %dma_start3A_23 = arith.constant 1 : i32
    %dma_start3A_24 = arith.constant 128 : i32
    %dma_start3A_25 = arith.constant 0 : i32
    %dma_start3A_26 = tpu.memref_slice %arg6[%dma_start3A_24, %dma_start3A_25] : memref<512x32xf32, #tpu.memory_space<vmem>> -> memref<128x32xf32, #tpu.memory_space<vmem>>
    %dma_start3A_27 = arith.constant 0 : i32
    %dma_start3A_28 = tpu.memref_slice %arg5[%dma_start3A_23, %dma_start3A_27] : memref<4x128xi32, #tpu.memory_space<vmem>> -> memref<1x128xi32, #tpu.memory_space<vmem>>
    %dma_start3A_29 = tpu.memref_squeeze %dma_start3A_28 : memref<1x128xi32, #tpu.memory_space<vmem>> -> memref<128xi32, #tpu.memory_space<vmem>>
    %dma_start3A_30 = arith.constant 0 : i32
    %dma_start3A_31 = arith.constant 0 : i32
    %dma_start3A_32 = tpu.memref_slice %arg3[%dma_start3A_30, %dma_start3A_31] : memref<1000000x32xf32, #tpu.memory_space<hbm>> -> memref<1000000x32xf32, #tpu.memory_space<hbm>>
    tpu.enqueue_indirect_dma source(%dma_start3A_32 : memref<1000000x32xf32, #tpu.memory_space<hbm>>) target(%dma_start3A_26 : memref<128x32xf32, #tpu.memory_space<vmem>>) offsets(%dma_start3A_29 : memref<128xi32, #tpu.memory_space<vmem>>) semaphore(%arg7 : memref<!tpu.dma_semaphore, #tpu.memory_space<semaphore_mem>>)
    %dma_start3A_33 = arith.constant 2 : i32
    %dma_start3A_34 = arith.constant 256 : i32
    %dma_start3A_35 = arith.constant 0 : i32
    %dma_start3A_36 = tpu.memref_slice %arg6[%dma_start3A_34, %dma_start3A_35] : memref<512x32xf32, #tpu.memory_space<vmem>> -> memref<128x32xf32, #tpu.memory_space<vmem>>
    %dma_start3A_37 = arith.constant 0 : i32
    %dma_start3A_38 = tpu.memref_slice %arg5[%dma_start3A_33, %dma_start3A_37] : memref<4x128xi32, #tpu.memory_space<vmem>> -> memref<1x128xi32, #tpu.memory_space<vmem>>
    %dma_start3A_39 = tpu.memref_squeeze %dma_start3A_38 : memref<1x128xi32, #tpu.memory_space<vmem>> -> memref<128xi32, #tpu.memory_space<vmem>>
    %dma_start3A_40 = arith.constant 0 : i32
    %dma_start3A_41 = arith.constant 0 : i32
    %dma_start3A_42 = tpu.memref_slice %arg3[%dma_start3A_40, %dma_start3A_41] : memref<1000000x32xf32, #tpu.memory_space<hbm>> -> memref<1000000x32xf32, #tpu.memory_space<hbm>>
    tpu.enqueue_indirect_dma source(%dma_start3A_42 : memref<1000000x32xf32, #tpu.memory_space<hbm>>) target(%dma_start3A_36 : memref<128x32xf32, #tpu.memory_space<vmem>>) offsets(%dma_start3A_39 : memref<128xi32, #tpu.memory_space<vmem>>) semaphore(%arg7 : memref<!tpu.dma_semaphore, #tpu.memory_space<semaphore_mem>>)
    %dma_start3A_43 = arith.constant 3 : i32
    %dma_start3A_44 = arith.constant 384 : i32
    %dma_start3A_45 = arith.constant 0 : i32
    %dma_start3A_46 = tpu.memref_slice %arg6[%dma_start3A_44, %dma_start3A_45] : memref<512x32xf32, #tpu.memory_space<vmem>> -> memref<128x32xf32, #tpu.memory_space<vmem>>
    %dma_start3A_47 = arith.constant 0 : i32
    %dma_start3A_48 = tpu.memref_slice %arg5[%dma_start3A_43, %dma_start3A_47] : memref<4x128xi32, #tpu.memory_space<vmem>> -> memref<1x128xi32, #tpu.memory_space<vmem>>
    %dma_start3A_49 = tpu.memref_squeeze %dma_start3A_48 : memref<1x128xi32, #tpu.memory_space<vmem>> -> memref<128xi32, #tpu.memory_space<vmem>>
    %dma_start3A_50 = arith.constant 0 : i32
    %dma_start3A_51 = arith.constant 0 : i32
    %dma_start3A_52 = tpu.memref_slice %arg3[%dma_start3A_50, %dma_start3A_51] : memref<1000000x32xf32, #tpu.memory_space<hbm>> -> memref<1000000x32xf32, #tpu.memory_space<hbm>>
    tpu.enqueue_indirect_dma source(%dma_start3A_52 : memref<1000000x32xf32, #tpu.memory_space<hbm>>) target(%dma_start3A_46 : memref<128x32xf32, #tpu.memory_space<vmem>>) offsets(%dma_start3A_49 : memref<128xi32, #tpu.memory_space<vmem>>) semaphore(%arg7 : memref<!tpu.dma_semaphore, #tpu.memory_space<semaphore_mem>>)
    %dma_wait3A = arith.constant 0 : i32
    %dma_wait3A_53 = arith.constant 0 : i32
    %dma_wait3A_54 = arith.constant 0 : i32
    %dma_wait3A_55 = tpu.memref_slice %arg6[%dma_wait3A_53, %dma_wait3A_54] : memref<512x32xf32, #tpu.memory_space<vmem>> -> memref<128x32xf32, #tpu.memory_space<vmem>>
    %dma_wait3A_56 = arith.constant 0 : i32
    %dma_wait3A_57 = tpu.memref_slice %arg5[%dma_wait3A, %dma_wait3A_56] : memref<4x128xi32, #tpu.memory_space<vmem>> -> memref<1x128xi32, #tpu.memory_space<vmem>>
    %dma_wait3A_58 = tpu.memref_squeeze %dma_wait3A_57 : memref<1x128xi32, #tpu.memory_space<vmem>> -> memref<128xi32, #tpu.memory_space<vmem>>
    %dma_wait3A_59 = arith.constant 0 : i32
    %dma_wait3A_60 = arith.constant 0 : i32
    %dma_wait3A_61 = tpu.memref_slice %arg3[%dma_wait3A_59, %dma_wait3A_60] : memref<1000000x32xf32, #tpu.memory_space<hbm>> -> memref<1000000x32xf32, #tpu.memory_space<hbm>>
    tpu.wait_indirect_dma semaphore(%arg7 : memref<!tpu.dma_semaphore, #tpu.memory_space<semaphore_mem>>) src(%dma_wait3A_61 : memref<1000000x32xf32, #tpu.memory_space<hbm>>) dst(%dma_wait3A_55 : memref<128x32xf32, #tpu.memory_space<vmem>>)
    %dma_wait3A_62 = arith.constant 1 : i32
    %dma_wait3A_63 = arith.constant 128 : i32
    %dma_wait3A_64 = arith.constant 0 : i32
    %dma_wait3A_65 = tpu.memref_slice %arg6[%dma_wait3A_63, %dma_wait3A_64] : memref<512x32xf32, #tpu.memory_space<vmem>> -> memref<128x32xf32, #tpu.memory_space<vmem>>
    %dma_wait3A_66 = arith.constant 0 : i32
    %dma_wait3A_67 = tpu.memref_slice %arg5[%dma_wait3A_62, %dma_wait3A_66] : memref<4x128xi32, #tpu.memory_space<vmem>> -> memref<1x128xi32, #tpu.memory_space<vmem>>
    %dma_wait3A_68 = tpu.memref_squeeze %dma_wait3A_67 : memref<1x128xi32, #tpu.memory_space<vmem>> -> memref<128xi32, #tpu.memory_space<vmem>>
    %dma_wait3A_69 = arith.constant 0 : i32
    %dma_wait3A_70 = arith.constant 0 : i32
    %dma_wait3A_71 = tpu.memref_slice %arg3[%dma_wait3A_69, %dma_wait3A_70] : memref<1000000x32xf32, #tpu.memory_space<hbm>> -> memref<1000000x32xf32, #tpu.memory_space<hbm>>
    tpu.wait_indirect_dma semaphore(%arg7 : memref<!tpu.dma_semaphore, #tpu.memory_space<semaphore_mem>>) src(%dma_wait3A_71 : memref<1000000x32xf32, #tpu.memory_space<hbm>>) dst(%dma_wait3A_65 : memref<128x32xf32, #tpu.memory_space<vmem>>)
    %dma_wait3A_72 = arith.constant 2 : i32
    %dma_wait3A_73 = arith.constant 256 : i32
    %dma_wait3A_74 = arith.constant 0 : i32
    %dma_wait3A_75 = tpu.memref_slice %arg6[%dma_wait3A_73, %dma_wait3A_74] : memref<512x32xf32, #tpu.memory_space<vmem>> -> memref<128x32xf32, #tpu.memory_space<vmem>>
    %dma_wait3A_76 = arith.constant 0 : i32
    %dma_wait3A_77 = tpu.memref_slice %arg5[%dma_wait3A_72, %dma_wait3A_76] : memref<4x128xi32, #tpu.memory_space<vmem>> -> memref<1x128xi32, #tpu.memory_space<vmem>>
    %dma_wait3A_78 = tpu.memref_squeeze %dma_wait3A_77 : memref<1x128xi32, #tpu.memory_space<vmem>> -> memref<128xi32, #tpu.memory_space<vmem>>
    %dma_wait3A_79 = arith.constant 0 : i32
    %dma_wait3A_80 = arith.constant 0 : i32
    %dma_wait3A_81 = tpu.memref_slice %arg3[%dma_wait3A_79, %dma_wait3A_80] : memref<1000000x32xf32, #tpu.memory_space<hbm>> -> memref<1000000x32xf32, #tpu.memory_space<hbm>>
    tpu.wait_indirect_dma semaphore(%arg7 : memref<!tpu.dma_semaphore, #tpu.memory_space<semaphore_mem>>) src(%dma_wait3A_81 : memref<1000000x32xf32, #tpu.memory_space<hbm>>) dst(%dma_wait3A_75 : memref<128x32xf32, #tpu.memory_space<vmem>>)
    %dma_wait3A_82 = arith.constant 3 : i32
    %dma_wait3A_83 = arith.constant 384 : i32
    %dma_wait3A_84 = arith.constant 0 : i32
    %dma_wait3A_85 = tpu.memref_slice %arg6[%dma_wait3A_83, %dma_wait3A_84] : memref<512x32xf32, #tpu.memory_space<vmem>> -> memref<128x32xf32, #tpu.memory_space<vmem>>
    %dma_wait3A_86 = arith.constant 0 : i32
    %dma_wait3A_87 = tpu.memref_slice %arg5[%dma_wait3A_82, %dma_wait3A_86] : memref<4x128xi32, #tpu.memory_space<vmem>> -> memref<1x128xi32, #tpu.memory_space<vmem>>
    %dma_wait3A_88 = tpu.memref_squeeze %dma_wait3A_87 : memref<1x128xi32, #tpu.memory_space<vmem>> -> memref<128xi32, #tpu.memory_space<vmem>>
    %dma_wait3A_89 = arith.constant 0 : i32
    %dma_wait3A_90 = arith.constant 0 : i32
    %dma_wait3A_91 = tpu.memref_slice %arg3[%dma_wait3A_89, %dma_wait3A_90] : memref<1000000x32xf32, #tpu.memory_space<hbm>> -> memref<1000000x32xf32, #tpu.memory_space<hbm>>
    tpu.wait_indirect_dma semaphore(%arg7 : memref<!tpu.dma_semaphore, #tpu.memory_space<semaphore_mem>>) src(%dma_wait3A_91 : memref<1000000x32xf32, #tpu.memory_space<hbm>>) dst(%dma_wait3A_85 : memref<128x32xf32, #tpu.memory_space<vmem>>)
    %scan3A = arith.constant 0 : i32
    %scan3A_92 = arith.constant 0 : i32
    %scan3A_93 = arith.constant 512 : i32
    %scan3A_94 = arith.addi %scan3A_92, %scan3A_93 : i32
    %scan3A_95 = arith.constant 2 : i32
    scf.for %scan3A_97 = %scan3A_92 to %scan3A_94 step %scan3A_95  : i32 {
      %get3A = arith.index_cast %scan3A_97 : i32 to index
      %get3A_98 = arith.constant 0 : index
      %get3A_99 = tpu.vector_load %arg6[%get3A, %get3A_98] {strides = array<i32>} : memref<512x32xf32, #tpu.memory_space<vmem>>, vector<1x16xf32>,
      %get3A_100 = vector.shape_cast %get3A_99 : vector<1x16xf32> to vector<16xf32>
      %get3A_101 = arith.index_cast %scan3A_97 : i32 to index
      %get3A_102 = arith.constant 16 : index
      %get3A_103 = tpu.vector_load %arg6[%get3A_101, %get3A_102] {strides = array<i32>} : memref<512x32xf32, #tpu.memory_space<vmem>>, vector<1x16xf32>,
      %get3A_104 = vector.shape_cast %get3A_103 : vector<1x16xf32> to vector<16xf32>
      %mul3A_105 = arith.mulf %get3A_100, %get3A_100 : vector<16xf32>
      %mul3A_106 = arith.mulf %get3A_104, %get3A_104 : vector<16xf32>
      %add3A_107 = arith.addf %mul3A_105, %mul3A_106 : vector<16xf32>
      %iota3A = tpu.iota {dimensions = array<i32: 0>} : vector<16xi32>
      %add3A_108 = arith.constant 8 : i32
      %add3A_109 = vector.broadcast %add3A_108 : i32 to vector<16xi32>
      %add3A_110 = arith.addi %iota3A, %add3A_109 : vector<16xi32>
      %and3A = arith.constant 15 : i32
      %and3A_111 = vector.broadcast %and3A : i32 to vector<16xi32>
      %and3A_112 = arith.andi %add3A_110, %and3A_111 : vector<16xi32>
      %lt3A = arith.constant 0 : i32
      %lt3A_113 = vector.broadcast %lt3A : i32 to vector<16xi32>
      %lt3A_114 = arith.cmpi slt, %and3A_112, %lt3A_113 : vector<16xi32>
      %add3A_115 = arith.constant 16 : i32
      %add3A_116 = vector.broadcast %add3A_115 : i32 to vector<16xi32>
      %add3A_117 = arith.addi %and3A_112, %add3A_116 : vector<16xi32>
      %select_n3A = arith.select %lt3A_114, %add3A_117, %and3A_112 : vector<16xi1>, vector<16xi32>
      %reshape3A = vector.shape_cast %select_n3A : vector<16xi32> to vector<16x1xi32>
      %gather3A = vector.shape_cast %reshape3A : vector<16x1xi32> to vector<16xi32>
      %gather3A_118 = tpu.dynamic_gather %add3A_107[%gather3A] in [0] : vector<16xf32>, vector<16xi32> -> vector<16xf32>
      %add3A_119 = arith.addf %add3A_107, %gather3A_118 : vector<16xf32>
      %add3A_120 = arith.constant 4 : i32
      %add3A_121 = vector.broadcast %add3A_120 : i32 to vector<16xi32>
      %add3A_122 = arith.addi %iota3A, %add3A_121 : vector<16xi32>
      %and3A_123 = arith.constant 15 : i32
      %and3A_124 = vector.broadcast %and3A_123 : i32 to vector<16xi32>
      %and3A_125 = arith.andi %add3A_122, %and3A_124 : vector<16xi32>
      %lt3A_126 = arith.constant 0 : i32
      %lt3A_127 = vector.broadcast %lt3A_126 : i32 to vector<16xi32>
      %lt3A_128 = arith.cmpi slt, %and3A_125, %lt3A_127 : vector<16xi32>
      %add3A_129 = arith.constant 16 : i32
      %add3A_130 = vector.broadcast %add3A_129 : i32 to vector<16xi32>
      %add3A_131 = arith.addi %and3A_125, %add3A_130 : vector<16xi32>
      %select_n3A_132 = arith.select %lt3A_128, %add3A_131, %and3A_125 : vector<16xi1>, vector<16xi32>
      %reshape3A_133 = vector.shape_cast %select_n3A_132 : vector<16xi32> to vector<16x1xi32>
      %gather3A_134 = vector.shape_cast %reshape3A_133 : vector<16x1xi32> to vector<16xi32>
      %gather3A_135 = tpu.dynamic_gather %add3A_119[%gather3A_134] in [0] : vector<16xf32>, vector<16xi32> -> vector<16xf32>
      %add3A_136 = arith.addf %add3A_119, %gather3A_135 : vector<16xf32>
      %add3A_137 = arith.constant 2 : i32
      %add3A_138 = vector.broadcast %add3A_137 : i32 to vector<16xi32>
      %add3A_139 = arith.addi %iota3A, %add3A_138 : vector<16xi32>
      %and3A_140 = arith.constant 15 : i32
      %and3A_141 = vector.broadcast %and3A_140 : i32 to vector<16xi32>
      %and3A_142 = arith.andi %add3A_139, %and3A_141 : vector<16xi32>
      %lt3A_143 = arith.constant 0 : i32
      %lt3A_144 = vector.broadcast %lt3A_143 : i32 to vector<16xi32>
      %lt3A_145 = arith.cmpi slt, %and3A_142, %lt3A_144 : vector<16xi32>
      %add3A_146 = arith.constant 16 : i32
      %add3A_147 = vector.broadcast %add3A_146 : i32 to vector<16xi32>
      %add3A_148 = arith.addi %and3A_142, %add3A_147 : vector<16xi32>
      %select_n3A_149 = arith.select %lt3A_145, %add3A_148, %and3A_142 : vector<16xi1>, vector<16xi32>
      %reshape3A_150 = vector.shape_cast %select_n3A_149 : vector<16xi32> to vector<16x1xi32>
      %gather3A_151 = vector.shape_cast %reshape3A_150 : vector<16x1xi32> to vector<16xi32>
      %gather3A_152 = tpu.dynamic_gather %add3A_136[%gather3A_151] in [0] : vector<16xf32>, vector<16xi32> -> vector<16xf32>
      %add3A_153 = arith.addf %add3A_136, %gather3A_152 : vector<16xf32>
      %add3A_154 = arith.constant 1 : i32
      %add3A_155 = vector.broadcast %add3A_154 : i32 to vector<16xi32>
      %add3A_156 = arith.addi %iota3A, %add3A_155 : vector<16xi32>
      %and3A_157 = arith.constant 15 : i32
      %and3A_158 = vector.broadcast %and3A_157 : i32 to vector<16xi32>
      %and3A_159 = arith.andi %add3A_156, %and3A_158 : vector<16xi32>
      %lt3A_160 = arith.constant 0 : i32
      %lt3A_161 = vector.broadcast %lt3A_160 : i32 to vector<16xi32>
      %lt3A_162 = arith.cmpi slt, %and3A_159, %lt3A_161 : vector<16xi32>
      %add3A_163 = arith.constant 16 : i32
      %add3A_164 = vector.broadcast %add3A_163 : i32 to vector<16xi32>
      %add3A_165 = arith.addi %and3A_159, %add3A_164 : vector<16xi32>
      %select_n3A_166 = arith.select %lt3A_162, %add3A_165, %and3A_159 : vector<16xi1>, vector<16xi32>
      %reshape3A_167 = vector.shape_cast %select_n3A_166 : vector<16xi32> to vector<16x1xi32>
      %gather3A_168 = vector.shape_cast %reshape3A_167 : vector<16x1xi32> to vector<16xi32>
      %gather3A_169 = tpu.dynamic_gather %add3A_153[%gather3A_168] in [0] : vector<16xf32>, vector<16xi32> -> vector<16xf32>
      %add3A_170 = arith.addf %add3A_153, %gather3A_169 : vector<16xf32>
      %bitcast_convert_type3A = tpu.bitcast %add3A_170 : vector<16xf32> -> vector<16xi32>
      %shift_right_logical3A = arith.constant 1 : i32
      %shift_right_logical3A_171 = vector.broadcast %shift_right_logical3A : i32 to vector<16xi32>
      %shift_right_logical3A_172 = arith.shrui %bitcast_convert_type3A, %shift_right_logical3A_171 : vector<16xi32>
      %sub3A = arith.constant 1597463007 : i32
      %sub3A_173 = vector.broadcast %sub3A : i32 to vector<16xi32>
      %sub3A_174 = arith.subi %sub3A_173, %shift_right_logical3A_172 : vector<16xi32>
      %bitcast_convert_type3A_175 = tpu.bitcast %sub3A_174 : vector<16xi32> -> vector<16xf32>
      %mul3A_176 = arith.constant 5.000000e-01 : f32
      %mul3A_177 = vector.broadcast %mul3A_176 : f32 to vector<16xf32>
      %mul3A_178 = arith.mulf %add3A_170, %mul3A_177 : vector<16xf32>
      %mul3A_179 = arith.mulf %mul3A_178, %bitcast_convert_type3A_175 : vector<16xf32>
      %mul3A_180 = arith.mulf %mul3A_179, %bitcast_convert_type3A_175 : vector<16xf32>
      %sub3A_181 = arith.constant 1.500000e+00 : f32
      %sub3A_182 = vector.broadcast %sub3A_181 : f32 to vector<16xf32>
      %sub3A_183 = arith.subf %sub3A_182, %mul3A_180 : vector<16xf32>
      %mul3A_184 = arith.mulf %bitcast_convert_type3A_175, %sub3A_183 : vector<16xf32>
      %mul3A_185 = arith.mulf %mul3A_178, %mul3A_184 : vector<16xf32>
      %mul3A_186 = arith.mulf %mul3A_185, %mul3A_184 : vector<16xf32>
      %sub3A_187 = arith.constant 1.500000e+00 : f32
      %sub3A_188 = vector.broadcast %sub3A_187 : f32 to vector<16xf32>
      %sub3A_189 = arith.subf %sub3A_188, %mul3A_186 : vector<16xf32>
      %mul3A_190 = arith.mulf %mul3A_184, %sub3A_189 : vector<16xf32>
      %mul3A_191 = arith.mulf %mul3A_178, %mul3A_190 : vector<16xf32>
      %mul3A_192 = arith.mulf %mul3A_191, %mul3A_190 : vector<16xf32>
      %sub3A_193 = arith.constant 1.500000e+00 : f32
      %sub3A_194 = vector.broadcast %sub3A_193 : f32 to vector<16xf32>
      %sub3A_195 = arith.subf %sub3A_194, %mul3A_192 : vector<16xf32>
      %mul3A_196 = arith.mulf %mul3A_190, %sub3A_195 : vector<16xf32>
      %mul3A_197 = arith.mulf %get3A_100, %mul3A_196 : vector<16xf32>
      %swap3A = arith.index_cast %scan3A_97 : i32 to index
      %swap3A_198 = arith.constant 0 : index
      %swap3A_199 = tpu.vector_load %arg6[%swap3A, %swap3A_198] {strides = array<i32>} : memref<512x32xf32, #tpu.memory_space<vmem>>, vector<1x16xf32>,
      %swap3A_200 = vector.shape_cast %swap3A_199 : vector<1x16xf32> to vector<16xf32>
      %swap3A_201 = vector.shape_cast %mul3A_197 : vector<16xf32> to vector<1x16xf32>
      tpu.vector_store %arg6[%swap3A, %swap3A_198], %swap3A_201 {strides = array<i32>} : memref<512x32xf32, #tpu.memory_space<vmem>>, vector<1x16xf32>,
      %mul3A_202 = arith.mulf %get3A_104, %mul3A_196 : vector<16xf32>
      %swap3A_203 = arith.index_cast %scan3A_97 : i32 to index
      %swap3A_204 = arith.constant 16 : index
      %swap3A_205 = tpu.vector_load %arg6[%swap3A_203, %swap3A_204] {strides = array<i32>} : memref<512x32xf32, #tpu.memory_space<vmem>>, vector<1x16xf32>,
      %swap3A_206 = vector.shape_cast %swap3A_205 : vector<1x16xf32> to vector<16xf32>
      %swap3A_207 = vector.shape_cast %mul3A_202 : vector<16xf32> to vector<1x16xf32>
      tpu.vector_store %arg6[%swap3A_203, %swap3A_204], %swap3A_207 {strides = array<i32>} : memref<512x32xf32, #tpu.memory_space<vmem>>, vector<1x16xf32>,
      %scan3A_208 = arith.constant 1 : i32
      %scan3A_209 = arith.addi %scan3A_97, %scan3A_208 : i32
      %get3A_210 = arith.index_cast %scan3A_209 : i32 to index
      %get3A_211 = arith.constant 0 : index
      %get3A_212 = tpu.vector_load %arg6[%get3A_210, %get3A_211] {strides = array<i32>} : memref<512x32xf32, #tpu.memory_space<vmem>>, vector<1x16xf32>,
      %get3A_213 = vector.shape_cast %get3A_212 : vector<1x16xf32> to vector<16xf32>
      %get3A_214 = arith.index_cast %scan3A_209 : i32 to index
      %get3A_215 = arith.constant 16 : index
      %get3A_216 = tpu.vector_load %arg6[%get3A_214, %get3A_215] {strides = array<i32>} : memref<512x32xf32, #tpu.memory_space<vmem>>, vector<1x16xf32>,
      %get3A_217 = vector.shape_cast %get3A_216 : vector<1x16xf32> to vector<16xf32>
      %mul3A_218 = arith.mulf %get3A_213, %get3A_213 : vector<16xf32>
      %mul3A_219 = arith.mulf %get3A_217, %get3A_217 : vector<16xf32>
      %add3A_220 = arith.addf %mul3A_218, %mul3A_219 : vector<16xf32>
      %iota3A_221 = tpu.iota {dimensions = array<i32: 0>} : vector<16xi32>
      %add3A_222 = arith.constant 8 : i32
      %add3A_223 = vector.broadcast %add3A_222 : i32 to vector<16xi32>
      %add3A_224 = arith.addi %iota3A_221, %add3A_223 : vector<16xi32>
      %and3A_225 = arith.constant 15 : i32
      %and3A_226 = vector.broadcast %and3A_225 : i32 to vector<16xi32>
      %and3A_227 = arith.andi %add3A_224, %and3A_226 : vector<16xi32>
      %lt3A_228 = arith.constant 0 : i32
      %lt3A_229 = vector.broadcast %lt3A_228 : i32 to vector<16xi32>
      %lt3A_230 = arith.cmpi slt, %and3A_227, %lt3A_229 : vector<16xi32>
      %add3A_231 = arith.constant 16 : i32
      %add3A_232 = vector.broadcast %add3A_231 : i32 to vector<16xi32>
      %add3A_233 = arith.addi %and3A_227, %add3A_232 : vector<16xi32>
      %select_n3A_234 = arith.select %lt3A_230, %add3A_233, %and3A_227 : vector<16xi1>, vector<16xi32>
      %reshape3A_235 = vector.shape_cast %select_n3A_234 : vector<16xi32> to vector<16x1xi32>
      %gather3A_236 = vector.shape_cast %reshape3A_235 : vector<16x1xi32> to vector<16xi32>
      %gather3A_237 = tpu.dynamic_gather %add3A_220[%gather3A_236] in [0] : vector<16xf32>, vector<16xi32> -> vector<16xf32>
      %add3A_238 = arith.addf %add3A_220, %gather3A_237 : vector<16xf32>
      %add3A_239 = arith.constant 4 : i32
      %add3A_240 = vector.broadcast %add3A_239 : i32 to vector<16xi32>
      %add3A_241 = arith.addi %iota3A_221, %add3A_240 : vector<16xi32>
      %and3A_242 = arith.constant 15 : i32
      %and3A_243 = vector.broadcast %and3A_242 : i32 to vector<16xi32>
      %and3A_244 = arith.andi %add3A_241, %and3A_243 : vector<16xi32>
      %lt3A_245 = arith.constant 0 : i32
      %lt3A_246 = vector.broadcast %lt3A_245 : i32 to vector<16xi32>
      %lt3A_247 = arith.cmpi slt, %and3A_244, %lt3A_246 : vector<16xi32>
      %add3A_248 = arith.constant 16 : i32
      %add3A_249 = vector.broadcast %add3A_248 : i32 to vector<16xi32>
      %add3A_250 = arith.addi %and3A_244, %add3A_249 : vector<16xi32>
      %select_n3A_251 = arith.select %lt3A_247, %add3A_250, %and3A_244 : vector<16xi1>, vector<16xi32>
      %reshape3A_252 = vector.shape_cast %select_n3A_251 : vector<16xi32> to vector<16x1xi32>
      %gather3A_253 = vector.shape_cast %reshape3A_252 : vector<16x1xi32> to vector<16xi32>
      %gather3A_254 = tpu.dynamic_gather %add3A_238[%gather3A_253] in [0] : vector<16xf32>, vector<16xi32> -> vector<16xf32>
      %add3A_255 = arith.addf %add3A_238, %gather3A_254 : vector<16xf32>
      %add3A_256 = arith.constant 2 : i32
      %add3A_257 = vector.broadcast %add3A_256 : i32 to vector<16xi32>
      %add3A_258 = arith.addi %iota3A_221, %add3A_257 : vector<16xi32>
      %and3A_259 = arith.constant 15 : i32
      %and3A_260 = vector.broadcast %and3A_259 : i32 to vector<16xi32>
      %and3A_261 = arith.andi %add3A_258, %and3A_260 : vector<16xi32>
      %lt3A_262 = arith.constant 0 : i32
      %lt3A_263 = vector.broadcast %lt3A_262 : i32 to vector<16xi32>
      %lt3A_264 = arith.cmpi slt, %and3A_261, %lt3A_263 : vector<16xi32>
      %add3A_265 = arith.constant 16 : i32
      %add3A_266 = vector.broadcast %add3A_265 : i32 to vector<16xi32>
      %add3A_267 = arith.addi %and3A_261, %add3A_266 : vector<16xi32>
      %select_n3A_268 = arith.select %lt3A_264, %add3A_267, %and3A_261 : vector<16xi1>, vector<16xi32>
      %reshape3A_269 = vector.shape_cast %select_n3A_268 : vector<16xi32> to vector<16x1xi32>
      %gather3A_270 = vector.shape_cast %reshape3A_269 : vector<16x1xi32> to vector<16xi32>
      %gather3A_271 = tpu.dynamic_gather %add3A_255[%gather3A_270] in [0] : vector<16xf32>, vector<16xi32> -> vector<16xf32>
      %add3A_272 = arith.addf %add3A_255, %gather3A_271 : vector<16xf32>
      %add3A_273 = arith.constant 1 : i32
      %add3A_274 = vector.broadcast %add3A_273 : i32 to vector<16xi32>
      %add3A_275 = arith.addi %iota3A_221, %add3A_274 : vector<16xi32>
      %and3A_276 = arith.constant 15 : i32
      %and3A_277 = vector.broadcast %and3A_276 : i32 to vector<16xi32>
      %and3A_278 = arith.andi %add3A_275, %and3A_277 : vector<16xi32>
      %lt3A_279 = arith.constant 0 : i32
      %lt3A_280 = vector.broadcast %lt3A_279 : i32 to vector<16xi32>
      %lt3A_281 = arith.cmpi slt, %and3A_278, %lt3A_280 : vector<16xi32>
      %add3A_282 = arith.constant 16 : i32
      %add3A_283 = vector.broadcast %add3A_282 : i32 to vector<16xi32>
      %add3A_284 = arith.addi %and3A_278, %add3A_283 : vector<16xi32>
      %select_n3A_285 = arith.select %lt3A_281, %add3A_284, %and3A_278 : vector<16xi1>, vector<16xi32>
      %reshape3A_286 = vector.shape_cast %select_n3A_285 : vector<16xi32> to vector<16x1xi32>
      %gather3A_287 = vector.shape_cast %reshape3A_286 : vector<16x1xi32> to vector<16xi32>
      %gather3A_288 = tpu.dynamic_gather %add3A_272[%gather3A_287] in [0] : vector<16xf32>, vector<16xi32> -> vector<16xf32>
      %add3A_289 = arith.addf %add3A_272, %gather3A_288 : vector<16xf32>
      %bitcast_convert_type3A_290 = tpu.bitcast %add3A_289 : vector<16xf32> -> vector<16xi32>
      %shift_right_logical3A_291 = arith.constant 1 : i32
      %shift_right_logical3A_292 = vector.broadcast %shift_right_logical3A_291 : i32 to vector<16xi32>
      %shift_right_logical3A_293 = arith.shrui %bitcast_convert_type3A_290, %shift_right_logical3A_292 : vector<16xi32>
      %sub3A_294 = arith.constant 1597463007 : i32
      %sub3A_295 = vector.broadcast %sub3A_294 : i32 to vector<16xi32>
      %sub3A_296 = arith.subi %sub3A_295, %shift_right_logical3A_293 : vector<16xi32>
      %bitcast_convert_type3A_297 = tpu.bitcast %sub3A_296 : vector<16xi32> -> vector<16xf32>
      %mul3A_298 = arith.constant 5.000000e-01 : f32
      %mul3A_299 = vector.broadcast %mul3A_298 : f32 to vector<16xf32>
      %mul3A_300 = arith.mulf %add3A_289, %mul3A_299 : vector<16xf32>
      %mul3A_301 = arith.mulf %mul3A_300, %bitcast_convert_type3A_297 : vector<16xf32>
      %mul3A_302 = arith.mulf %mul3A_301, %bitcast_convert_type3A_297 : vector<16xf32>
      %sub3A_303 = arith.constant 1.500000e+00 : f32
      %sub3A_304 = vector.broadcast %sub3A_303 : f32 to vector<16xf32>
      %sub3A_305 = arith.subf %sub3A_304, %mul3A_302 : vector<16xf32>
      %mul3A_306 = arith.mulf %bitcast_convert_type3A_297, %sub3A_305 : vector<16xf32>
      %mul3A_307 = arith.mulf %mul3A_300, %mul3A_306 : vector<16xf32>
      %mul3A_308 = arith.mulf %mul3A_307, %mul3A_306 : vector<16xf32>
      %sub3A_309 = arith.constant 1.500000e+00 : f32
      %sub3A_310 = vector.broadcast %sub3A_309 : f32 to vector<16xf32>
      %sub3A_311 = arith.subf %sub3A_310, %mul3A_308 : vector<16xf32>
      %mul3A_312 = arith.mulf %mul3A_306, %sub3A_311 : vector<16xf32>
      %mul3A_313 = arith.mulf %mul3A_300, %mul3A_312 : vector<16xf32>
      %mul3A_314 = arith.mulf %mul3A_313, %mul3A_312 : vector<16xf32>
      %sub3A_315 = arith.constant 1.500000e+00 : f32
      %sub3A_316 = vector.broadcast %sub3A_315 : f32 to vector<16xf32>
      %sub3A_317 = arith.subf %sub3A_316, %mul3A_314 : vector<16xf32>
      %mul3A_318 = arith.mulf %mul3A_312, %sub3A_317 : vector<16xf32>
      %mul3A_319 = arith.mulf %get3A_213, %mul3A_318 : vector<16xf32>
      %swap3A_320 = arith.index_cast %scan3A_209 : i32 to index
      %swap3A_321 = arith.constant 0 : index
      %swap3A_322 = tpu.vector_load %arg6[%swap3A_320, %swap3A_321] {strides = array<i32>} : memref<512x32xf32, #tpu.memory_space<vmem>>, vector<1x16xf32>,
      %swap3A_323 = vector.shape_cast %swap3A_322 : vector<1x16xf32> to vector<16xf32>
      %swap3A_324 = vector.shape_cast %mul3A_319 : vector<16xf32> to vector<1x16xf32>
      tpu.vector_store %arg6[%swap3A_320, %swap3A_321], %swap3A_324 {strides = array<i32>} : memref<512x32xf32, #tpu.memory_space<vmem>>, vector<1x16xf32>,
      %mul3A_325 = arith.mulf %get3A_217, %mul3A_318 : vector<16xf32>
      %swap3A_326 = arith.index_cast %scan3A_209 : i32 to index
      %swap3A_327 = arith.constant 16 : index
      %swap3A_328 = tpu.vector_load %arg6[%swap3A_326, %swap3A_327] {strides = array<i32>} : memref<512x32xf32, #tpu.memory_space<vmem>>, vector<1x16xf32>,
      %swap3A_329 = vector.shape_cast %swap3A_328 : vector<1x16xf32> to vector<16xf32>
      %swap3A_330 = vector.shape_cast %mul3A_325 : vector<16xf32> to vector<1x16xf32>
      tpu.vector_store %arg6[%swap3A_326, %swap3A_327], %swap3A_330 {strides = array<i32>} : memref<512x32xf32, #tpu.memory_space<vmem>>, vector<1x16xf32>,
    }
    %scan3A_96 = arith.constant 512 : i32
    "tpu.region"() ({
      %run_scoped3A_97 = tpu.sem_alloc : memref<!tpu.dma_semaphore, #tpu.memory_space<semaphore_mem>>
      %dma_start3A_98 = arith.constant 0 : i32
      %dma_start3A_99 = tpu.memref_slice %arg4[%mul3A_2, %dma_start3A_98] : memref<16384x32xf32, #tpu.memory_space<hbm>> -> memref<512x32xf32, #tpu.memory_space<hbm>>
      %dma_start3A_100 = arith.constant 0 : i32
      %dma_start3A_101 = tpu.memref_slice %arg4[%mul3A_2, %dma_start3A_100] : memref<16384x32xf32, #tpu.memory_space<hbm>> -> memref<512x32xf32, #tpu.memory_space<hbm>>
      tpu.enqueue_dma source(%arg6 : memref<512x32xf32, #tpu.memory_space<vmem>>) target(%dma_start3A_101 : memref<512x32xf32, #tpu.memory_space<hbm>>) target_semaphore(%run_scoped3A_97 : memref<!tpu.dma_semaphore, #tpu.memory_space<semaphore_mem>>)
      %dma_wait3A_102 = arith.constant 0 : i32
      %dma_wait3A_103 = tpu.memref_slice %arg4[%mul3A_2, %dma_wait3A_102] : memref<16384x32xf32, #tpu.memory_space<hbm>> -> memref<512x32xf32, #tpu.memory_space<hbm>>
      %dma_wait3A_104 = arith.constant 0 : i32
      %dma_wait3A_105 = tpu.memref_slice %arg4[%mul3A_2, %dma_wait3A_104] : memref<16384x32xf32, #tpu.memory_space<hbm>> -> memref<512x32xf32, #tpu.memory_space<hbm>>
      tpu.wait_dma2 semaphore(%run_scoped3A_97 : memref<!tpu.dma_semaphore, #tpu.memory_space<semaphore_mem>>) src(%arg6 : memref<512x32xf32, #tpu.memory_space<vmem>>) dst(%dma_wait3A_105 : memref<512x32xf32, #tpu.memory_space<hbm>>)
      tpu.yield
    }) : () -> ()
    return
  }
}

</mosaic_0001>

<sc_bundles>
// kernel: kernel.3.cloned.1.call-start
scs
__scs_entry_jumppad:
0x0: {  	(pc) =	sbr.rel $0x88, $3  }
0x1: {  	(tag) =	ssettag $0x0;
	lr =	simm.s32 $0x1  }
0x2: {  	[smem:$0x3F9F] =	sst lr;
	_ =	strace $0xD0000000  }
0x3: {  	_ = 	snop  }
0x4: {  	_ = 	snop  }
0x5: {  	_ = 	snop  }
0x6: {  	_ = 	snop  }
0x7: {  	_ = 	snop  }
__scs_overlays_trampoline_lowered:
0x8: {  	[smem:$0x3FAE] =	sst s0  }
0x9: {  	[smem:$0x3FAF] =	sst s1  }
0xa: {  	[smem:$0x3FB0] =	sst s2  }
0xb: {  	[smem:$0x3FB1] =	sst s3  }
0xc: {  	[smem:$0x3FB2] =	sst s4  }
0xd: {  	[smem:$0x3FB3] =	sst s5  }
0xe: {  	[smem:$0x3FB4] =	sst s6  }
0xf: {  	[smem:$0x3FB5] =	sst s7  }
0x10: {  	[smem:$0x3FB6] =	sst s8  }
0x11: {  	[smem:$0x3FB7] =	sst s9;
	s0 =	simm.s32 @!p0 $0x0  }
0x12: {  	s1 =	sld [smem:$0x3F9D];
	s0 =	simm.s32 @p0 $0x1  }
0x13: {  	[smem:$0x3FB8] =	sst s0;
	s0 =	simm.s32 @!p1 $0x0  }
0x14: {  	s2 =	sld [smem:$0x3F9C];
	s0 =	simm.s32 @p1 $0x1  }
0x15: {  	[smem:$0x3FB9] =	sst s0;
	s0 =	simm.s32 @!p2 $0x0  }
0x16: {  	s3 =	sld [smem:$0x3FDB];
	s0 =	simm.s32 @p2 $0x1  }
0x17: {  	s4 =	simm.s32 $0x1BF5;
	[smem:$0x3FBB] =	sst s0  }
0x18: {  	s0 =	sld [smem:$0x3F9E];
	_ =	swait.ge [sflag:s4], $0x0  }
0x19: {  	s7 =	sld [smem:$0x3F9F]  }
0x1a: {  	s8 =	sadd.s32 $0xFFFFE003, lr  }
0x1b: {  	s9 =	sadd.s32 $0xFFFFFEF7, lr;
	s5 =	simm.s32 $0xFFFFFFFF;
	p2 =	slt.u32 s8, $0xFFFFF086  }
0x1c: {  	p1 =	slt.u32 s9, $0xF7A;
	s5 =	simm.s32 @!p2 $0x0  }
0x1d: {  	s5 =	simm.s32 @p1 $0x1;
	p0 =	seq.s32 s7, s2  }
0x1e: {  	s7 =	smul.u32 @!p0 $0xF7A, s2;
	p2 =	seq.s32 @!p0 s5, $0x0  }
0x1f: {  	s9 =	smul.u32 $0xF7A, s1;
	s8 =	simm.s32 @!p0 $0x1BF5;
	p2 =	por !p2, p0  }
0x20: {  	[sflag:s8] =	ssyncset.s32 @!p0 $0xFFFFF086;
	s6 =	sadd.s32 @!p0 s3, s7;
	s7 =	simm.s32 @!p0 $0x108  }
0x21: {  	s3 =	sadd.s32 s3, s9;
	s6 =	sadd.s32 @!p0 $0x88, s6;
	s7 =	simm.s32 @p2 $0x1082  }
0x22: {  	[simem:s7], [sflag:s8] =	dma.local @!p0 [hbm:s6], $0xF7A  }
0x23: {  	s9 =	sor.u32 $0xD0000000, s2;
	s6 =	simm.s32 $0x108;
	_ =	swait.ge @!p0 [sflag:s8], $0x0  }
0x24: {  	s3 =	sadd.s32 $0x88, s3;
	s6 =	simm.s32 @!p1 $0x1082;
	[sflag:s4] =	ssyncset.s32 $0xFFFFF086  }
0x25: {  	[simem:s6], [sflag:s4] =	dma.local [hbm:s3], $0xF7A  }
0x26: {  	[smem:$0x3F9F] =	sst s1;
	(tag) =	ssettag s2;
	_ =	strace s9  }
0x27: {  	s1 =	sld [smem:$0x3FAF]  }
0x28: {  	s2 =	sld [smem:$0x3FB0]  }
0x29: {  	s4 =	sld [smem:$0x3FB2]  }
0x2a: {  	p0 =	seq.s32 s5, $0x0;
	s5 =	sld [smem:$0x3FB3]  }
0x2b: {  	s6 =	sld [smem:$0x3FB4]  }
0x2c: {  	s7 =	sld [smem:$0x3FB5]  }
0x2d: {  	s3 =	simm.s32 $0x108;
	s8 =	sld [smem:$0x3FB6]  }
0x2e: {  	s3 =	simm.s32 @!p0 $0x1082;
	s9 =	sld [smem:$0x3FB7]  }
0x2f: {  	lr =	sadd.s32 s0, s3;
	s0 =	sld [smem:$0x3FAE]  }
0x30: {  	s3 =	sld [smem:$0x3FB1]  }
0x31: {  	[smem:$0x3FBA] =	sst s10  }
0x32: {  	s10 =	sld [smem:$0x3FB8];
	_ =	sdelay $0x3  }
0x33: {  	p0 =	seq.s32 s10, $0x1;
	s10 =	sld [smem:$0x3FBA];
	_ =	sdelay $0x3  }
0x34: {  	[smem:$0x3FBA] =	sst s10  }
0x35: {  	s10 =	sld [smem:$0x3FB9];
	_ =	sdelay $0x3  }
0x36: {  	p1 =	seq.s32 s10, $0x1;
	s10 =	sld [smem:$0x3FBA];
	_ =	sdelay $0x3  }
0x37: {  	[smem:$0x3FBA] =	sst s10  }
0x38: {  	s10 =	sld [smem:$0x3FBB]  }
0x39: {  	_ = 	snop;
	(pc) =	sbr.ind lr, $3  }
0x3a: {  	_ = 	snop  }
0x3b: {  	_ = 	snop  }
0x3c: {  	p2 =	seq.s32 s10, $0x1;
	s10 =	sld [smem:$0x3FBA]  }
0x3d: {  	_ =	shalt  }
0x3e: {  	_ =	shalt  }
0x3f: {  	_ =	shalt  }
0x40: {  	_ =	shalt  }
0x41: {  	_ =	shalt  }
0x42: {  	_ =	shalt  }
0x43: {  	_ =	shalt  }
0x44: {  	_ =	shalt  }
0x45: {  	_ =	shalt  }
0x46: {  	_ =	shalt  }
0x47: {  	_ =	shalt  }
0x48: {  	_ =	shalt  }
0x49: {  	_ =	shalt  }
0x4a: {  	_ =	shalt  }
0x4b: {  	_ =	shalt  }
0x4c: {  	_ =	shalt  }
0x4d: {  	_ =	shalt  }
0x4e: {  	_ =	shalt  }
0x4f: {  	_ =	shalt  }
0x50: {  	_ =	shalt  }
0x51: {  	_ =	shalt  }
0x52: {  	_ =	shalt  }
0x53: {  	_ =	shalt  }
0x54: {  	_ =	shalt  }
0x55: {  	_ =	shalt  }
0x56: {  	_ =	shalt  }
0x57: {  	_ =	shalt  }
0x58: {  	_ =	shalt  }
0x59: {  	_ =	shalt  }
0x5a: {  	_ =	shalt  }
0x5b: {  	_ =	shalt  }
0x5c: {  	_ =	shalt  }
0x5d: {  	_ =	shalt  }
0x5e: {  	_ =	shalt  }
0x5f: {  	_ =	shalt  }
0x60: {  	_ =	shalt  }
0x61: {  	_ =	shalt  }
0x62: {  	_ =	shalt  }
0x63: {  	_ =	shalt  }
0x64: {  	_ =	shalt  }
0x65: {  	_ =	shalt  }
0x66: {  	_ =	shalt  }
0x67: {  	_ =	shalt  }
0x68: {  	_ =	shalt  }
0x69: {  	_ =	shalt  }
0x6a: {  	_ =	shalt  }
0x6b: {  	_ =	shalt  }
0x6c: {  	_ =	shalt  }
0x6d: {  	_ =	shalt  }
0x6e: {  	_ =	shalt  }
0x6f: {  	_ =	shalt  }
0x70: {  	_ =	shalt  }
0x71: {  	_ =	shalt  }
0x72: {  	_ =	shalt  }
0x73: {  	_ =	shalt  }
0x74: {  	_ =	shalt  }
0x75: {  	_ =	shalt  }
0x76: {  	_ =	shalt  }
0x77: {  	_ =	shalt  }
0x78: {  	_ =	shalt  }
0x79: {  	_ =	shalt  }
0x7a: {  	_ =	shalt  }
0x7b: {  	_ =	shalt  }
0x7c: {  	_ =	shalt  }
0x7d: {  	_ =	shalt  }
0x7e: {  	_ =	shalt  }
0x7f: {  	_ =	shalt  }
0x80: {  	_ =	shalt  }
0x81: {  	_ =	shalt  }
0x82: {  	_ =	shalt  }
0x83: {  	_ =	shalt  }
0x84: {  	_ =	shalt  }
0x85: {  	_ =	shalt  }
0x86: {  	_ =	shalt  }
0x87: {  	_ =	shalt  }
.Lfunc_end0:
.L_simem_size_0:
called_computation_lowered:
.L_overlay_start_0:
0x88: {  	s2 =	sld [smem:$0x3FD9]  }
0x89: {  	s3 =	sld [smem:$0x3FFE];
	_ =	sdelay $0x1  }
0x8a: {  	s1 =	srdreg.scid  }
0x8b: {  	s0 =	sand.u32 $0x1, s1  }
0x8c: {  	s17 =	sshll.u32 s0, $0xA;
	s2 =	sadd.s32 s3, s2  }
0x8d: {  	s2 =	sadd.s32 s2, s17  }
0x8e: {  	[smem:$0x3FC6] =	sst s2  }
0x8f: {  	_ = 	snop  }
0x90: {  	s2 =	sld [smem:$0x3FC9]  }
0x91: {  	s18 =	sld [smem:$0x3FD0];
	(tm) =	ssettm $0x1  }
0x92: {  	s4 =	sld [smem:$0x3FFB];
	_ =	sdelay $0x3  }
0x93: {  	_ =	strace s4  }
0x94: {  	s4 =	sld [smem:$0x3FFC];
	_ =	sdelay $0x3  }
0x95: {  	_ =	strace s4  }
0x96: {  	s4 =	sld [smem:$0x3FFD];
	_ =	sdelay $0x3  }
0x97: {  	_ =	strace s4  }
0x98: {  	_ =	strace $0x8FFFFFFF  }
0x99: {  	s19 =	sld [smem:$0x3FDB];
	_ =	sdelay $0x1  }
0x9a: {  	s5 =	simm.s32 $_scs_section_size  }
0x9b: {  	s6 =	simm.s32 $_size__tile_overlayer_lowered;
	s7 =	simm.s32 $_tile_overlayer_lowered  }
0x9c: {  	s22 =	simm.s32 $0x1BFF;
	s21 =	sshll.u32 s7, $0x1;
	s4 =	sadd.s32 s5, s19  }
0x9d: {  	s8 =	simm.s32 $0x0;
	s20 =	sshll.u32 s6, $0x1;
	s6 =	sadd.s32 s21, s4  }
0x9e: {  	[timem:s8], [sflag:s22] =	dma.local [hbm:s6], s20  }
0x9f: {  	_ =	swait.ge [sflag:s22], s20  }
0xa0: {  	s5 =	ssub.s32 $0x0, s20;
	[sflag:s22] =	ssyncset.done $0x0  }
0xa1: {  	[sflag:s22] =	ssyncadd.s32 s5;
	_ =	sdelay $0x1  }
0xa2: {  	s23 =	simm.s32 $0x1B8B  }
0xa3: {  	_ =	swait.ge [sflag:s23], $0x1  }
0xa4: {  	[sflag:s23] =	ssyncset.done $0x0  }
0xa5: {  	s25 =	simm.s32 $0x1B8E;
	s24 =	sld [smem:$0x3FFE];
	[sflag:s23] =	ssyncadd.s32 $0xFFFFFFFF  }
0xa6: {  	s26 =	simm.s32 $execute0_lowered;
	[smem:$0x3FD2] =	sst s25  }
0xa7: {  	s6 =	sshll.u32 s26, $0x1;
	_ =	strace $0x80000046;
	[dreg:$0x1] =	wrdreg $0xFFFFFFFF  }
0xa8: {  	s28 =	simm.s32 $_size_execute0_lowered;
	s4 =	sadd.s32 s4, s6;
	[dreg:$0x0] =	wrdreg $0x0  }
0xa9: {  	s6 =	sshll.u32 s28, $0x1;
	[dreg:$0x2] =	wrdreg s4  }
0xaa: {  	[dreg:$0x3] =	wrdreg s6  }
0xab: {  	[dreg:$0x4] =	wrdreg $0xC0  }
0xac: {  	_ =	task [dreg:s8], $0x5FFFF  }
0xad: {  	[dreg:$0x1] =	wrdreg $0xFFFFFFFF  }
0xae: {  	[dreg:$0x0] =	wrdreg $0x60  }
0xaf: {  	[dreg:$0x2] =	wrdreg s2  }
0xb0: {  	[dreg:$0x3] =	wrdreg s24  }
0xb1: {  	[dreg:$0x4] =	wrdreg s18  }
0xb2: {  	[dreg:$0x5] =	wrdreg $0x9  }
0xb3: {  	_ =	task.clear_ibuf [dreg:s8], $0x6FFFF;
	_ =	strace $0x90000046  }
0xb4: {  	s29 =	simm.s32 $0x9;
	_ =	strace $0x80000048  }
0xb5: {  	_ =	swait.ge [sflag:s29], $0x1  }
0xb6: {  	[sflag:s29] =	ssyncadd.s32 $0xFFFFFFFF  }
0xb7: {  	_ =	strace $0x90000048  }
0xb8: {  	_ =	sfence  }
0xb9: {  	s30 =	sld [smem:$0x0];
	_ =	sdelay $0x2  }
0xba: {  	s31 =	sshll.u32 s1, $0xD;
	s1 =	sshrl.u32 s1, $0x2  }
0xbb: {  	s3 =	sand.u32 $0x4000, s31;
	s1 =	sadd.s32 s1, s30  }
0xbc: {  	s0 =	sor.u32 s3, s0;
	s1 =	sshll.u32 s1, $0x11  }
0xbd: {  	s0 =	sor.u32 s1, s0  }
0xbe: {  	s0 =	sadd.s32 $0x8F2B, s0  }
0xbf: {  	[sflag:s0] =	ssyncadd.remote.s32 $0x1  }
0xc0: {  	_ =	sfence.sel $0xFFFF  }
0xc1: {  	[dreg:$0x0] =	wrdreg $0xFFFFFFFF;
	(pc) =	sbr.abs _section_cstart, $3  }
0xc2: {  	[dreg:$0x1] =	wrdreg $0xFFFFFFFF  }
0xc3: {  	_ =	task.clear_ibuf [dreg:s8], $0x2FFFF;
	_ =	strace $0x9FFFFFFF  }
0xc4: {  	(tm) =	ssettm $0x7FFFFFFF  }
0xc5: {  	_ =	shalt  }
tec
execute0_lowered:
.L_overlay_start_1:
0x0: {  	(tag) =	ssettag $0x1  }
0x1: {  	s3 =	rddreg [dreg:$0x0]  }
0x2: {  	v0 =	vimm.s32 $0xFEDCBA98;
	s1 =	srdreg.scid;
	v1 =	vimm.s32 $0x76543210;
	s5 =	rddreg [dreg:$0x1];
	v2 =	vimm.s32 $0x3210FEDC  }
0x3: {  	s0 =	stileid.u32;
	s8 =	rddreg [dreg:$0x2];
	v3 =	vimm.s32 $0xBA987654;
	v4 =	vimm.s32 $0x10FEDCBA;
	v5 =	vimm.s32 $0x98765432  }
0x4: {  	v6 =	vimm.s32 $0xFEDCBA9;
	v7 =	vimm.s32 $0x87654321;
	s11 =	simm.s32 $0x80;
	s12 =	simm.s32 $0x100;
	s13 =	simm.s32 $0x180  }
0x5: {  	s14 =	simm.s32 $0x200;
	s15 =	simm.s32 $0x1200;
	s16 =	simm.s32 $0x2200;
	v0 =	vunpack.c.l.s4.s8 v0;
	v1 =	vunpack.c.l.s4.s8 v1;
	v2 =	vunpack.c.l.s4.s8 v2  }
0x6: {  	s17 =	simm.s32 $0x3200;
	s18 =	simm.s32 $0x1;
	s19 =	simm.s32 $0x0;
	v3 =	vunpack.c.l.s4.s8 v3;
	v4 =	vunpack.c.l.s4.s8 v4;
	v5 =	vunpack.c.l.s4.s8 v5  }
0x7: {  	s4 =	sand.u32 $0x1, s1;
	s2 =	sshll.u32 s0, $0xA;
	s1 =	simm.s32 $0x0;
	v6 =	vunpack.c.l.s4.s8 v6;
	v7 =	vunpack.c.l.s4.s8 v7;
	v0 =	vunpack.c.0.s8.s32 v0  }
0x8: {  	s6 =	sshll.u32 s4, $0x9;
	[smem:$0x7FF] =	sst s1;
	s30 =	ssub.s32 $0x2, s4;
	v2 =	vunpack.c.0.s8.s32 v2;
	v3 =	vunpack.c.0.s8.s32 v3;
	v4 =	vunpack.c.0.s8.s32 v4  }
0x9: {  	s4 =	sadd.s32 $0xF42800, s5;
	s9 =	sor.u32 s6, s2;
	s2 =	rddreg [dreg:$0x3];
	v5 =	vunpack.c.0.s8.s32 v5;
	v6 =	vunpack.c.0.s8.s32 v6;
	v7 =	vunpack.c.0.s8.s32 v7  }
0xa: {  	_ =	strace $0x80000047;
	s7 =	sshrl.u32 s30, $0x1;
	v1 =	vunpack.c.0.s8.s32 v1;
	s31 =	sshrl.u32 s9, $0x3;
	v2 =	vcombine.low v3, v2  }
0xb: {  	s10 =	ssub.s32 s30, s7;
	s9 =	sshll.u32 s9, $0x2;
	s3 =	sadd.s32 s3, s31;
	v3 =	vcombine.low v5, v4;
	v4 =	vcombine.low v7, v6;
	v0 =	vand.u32 $0xF, v0  }
0xc: {  	s8 =	sadd.s32 s8, s9;
	s9 =	smax.u32 s10, $0x1;
	s10 =	simm.s32 $0x2;
	v0 =	vcombine.low v0, v1  }
0xd: {  	s5 =	sadd.s32 $0x10, s3;
	s6 =	sadd.s32 $0x20, s3;
	s7 =	sadd.s32 $0x30, s3;
	v1 =	vand.u32 $0xF, v2;
	v2 =	vand.u32 $0xF, v3;
	v3 =	vand.u32 $0xF, v4  }
.LBB2_1:
0xe: {  	[tilespmem:s1], [sflag:$0x2] =	stream.linear.gather [hbm4b:s3+s1], $0x80, $0x38;
	[tilespmem:$0x4200] =	vst v63  }
0xf: {  	_ =	swait.ge [sflag:s10], $0x80  }
0x10: {  	[sflag:s10] =	ssyncset.done $0x0  }
0x11: {  	[sflag:s10] =	ssyncadd.s32 $0xFFFFFF80  }
0x12: {  	[tilespmem:s11], [sflag:$0x2] =	stream.linear.gather [hbm4b:s5+s1], $0x80, $0x38;
	[tilespmem:$0x4200] =	vst v63  }
0x13: {  	_ =	swait.ge [sflag:s10], $0x80  }
0x14: {  	[sflag:s10] =	ssyncset.done $0x0  }
0x15: {  	[sflag:s10] =	ssyncadd.s32 $0xFFFFFF80  }
0x16: {  	[tilespmem:s12], [sflag:$0x2] =	stream.linear.gather [hbm4b:s6+s1], $0x80, $0x38;
	[tilespmem:$0x4200] =	vst v63  }
0x17: {  	_ =	swait.ge [sflag:s10], $0x80  }
0x18: {  	[sflag:s10] =	ssyncset.done $0x0  }
0x19: {  	[sflag:s10] =	ssyncadd.s32 $0xFFFFFF80  }
0x1a: {  	[tilespmem:s13], [sflag:$0x2] =	stream.linear.gather [hbm4b:s7+s1], $0x80, $0x38;
	[tilespmem:$0x4200] =	vst v63  }
0x1b: {  	_ =	swait.ge [sflag:s10], $0x80  }
0x1c: {  	[sflag:s10] =	ssyncset.done $0x0  }
0x1d: {  	[sflag:s10] =	ssyncadd.s32 $0xFFFFFF80  }
0x1e: {  	[tilespmem:s14], [sflag:$0x1] =	stream.indirect.gather [hbm4b:s4+s11], $0x20, s1, s11, $0xb8;
	[tilespmem:$0x4200] =	vst v63  }
0x1f: {  	_ = 	snop  }
0x20: {  	[tilespmem:s15], [sflag:$0x1] =	stream.indirect.gather [hbm4b:s4+s11], $0x20, s11, s11, $0xb8;
	[tilespmem:$0x4200] =	vst v63  }
0x21: {  	_ = 	snop  }
0x22: {  	[tilespmem:s16], [sflag:$0x1] =	stream.indirect.gather [hbm4b:s4+s11], $0x20, s12, s11, $0xb8;
	[tilespmem:$0x4200] =	vst v63  }
0x23: {  	_ = 	snop  }
0x24: {  	[tilespmem:s17], [sflag:$0x1] =	stream.indirect.gather [hbm4b:s4+s11], $0x20, s13, s11, $0xb8;
	[tilespmem:$0x4200] =	vst v63  }
0x25: {  	_ =	swait.ge [sflag:s18], $0x1000  }
0x26: {  	[sflag:s18] =	ssyncset.done $0x0  }
0x27: {  	[sflag:s18] =	ssyncadd.s32 $0xFFFFF000  }
0x28: {  	_ =	swait.ge [sflag:s18], $0x1000  }
0x29: {  	[sflag:s18] =	ssyncset.done $0x0  }
0x2a: {  	[sflag:s18] =	ssyncadd.s32 $0xFFFFF000  }
0x2b: {  	_ =	swait.ge [sflag:s18], $0x1000  }
0x2c: {  	[sflag:s18] =	ssyncset.done $0x0  }
0x2d: {  	[sflag:s18] =	ssyncadd.s32 $0xFFFFF000  }
0x2e: {  	_ =	swait.ge [sflag:s18], $0x1000  }
0x2f: {  	[sflag:s18] =	ssyncset.done $0x0  }
0x30: {  	s20 =	simm.s32 $0x220;
	[sflag:s18] =	ssyncadd.s32 $0xFFFFF000  }
0x31: {  	v5 =	vld [tilespmem:s20+$0xFFFFFFF0]  }
0x32: {  	v6 =	vld [tilespmem:s20+$0x10]  }
0x33: {  	v4 =	vld [tilespmem:s20+$0x0]  }
0x34: {  	v8 =	vld [tilespmem:s20+$0xFFFFFFE0];
	_ =	sdelay $0x3  }
0x35: {  	v7 =	vmul.f32 v6, v6;
	v9 =	vmul.f32 v4, v4  }
0x36: {  	v10 =	vmul.f32 v5, v5;
	v11 =	vmul.f32 v8, v8  }
0x37: {  	v7 =	vadd.f32 v7, v9  }
0x38: {  	v62 =	vadd.f32 v10, v11  }
0x39: {  	v63 =	vperm.xlane v7, v0  }
0x3a: {  	v11 =	vperm.xlane v62, v0  }
0x3b: {  	v7 =	vadd.f32 v7, v63  }
0x3c: {  	v9 =	vadd.f32 v62, v11  }
0x3d: {  	v10 =	vperm.xlane v7, v1  }
0x3e: {  	v11 =	vperm.xlane v9, v1  }
0x3f: {  	v7 =	vadd.f32 v7, v10  }
0x40: {  	v9 =	vadd.f32 v9, v11  }
0x41: {  	v10 =	vperm.xlane v7, v2  }
0x42: {  	v11 =	vperm.xlane v9, v2  }
0x43: {  	v7 =	vadd.f32 v7, v10  }
0x44: {  	v9 =	vadd.f32 v9, v11  }
0x45: {  	v10 =	vperm.xlane v7, v3  }
0x46: {  	v11 =	vperm.xlane v9, v3  }
0x47: {  	v7 =	vadd.f32 v7, v10  }
0x48: {  	v9 =	vadd.f32 v9, v11  }
0x49: {  	v10 =	vshrl.u32 v7, $0x1;
	v7 =	vmul.f32 $5.000000000e-01, v7  }
0x4a: {  	v11 =	vshrl.u32 v9, $0x1;
	v9 =	vmul.f32 $5.000000000e-01, v9;
	v10 =	vsub.s32 $0x5F3759DF, v10  }
0x4b: {  	v11 =	vsub.s32 $0x5F3759DF, v11;
	v12 =	vmul.f32 v10, v7  }
0x4c: {  	v13 =	vmul.f32 v11, v9  }
0x4d: {  	v12 =	vmul.f32 v10, v12  }
0x4e: {  	v13 =	vmul.f32 v11, v13  }
0x4f: {  	v12 =	vsub.f32 $1.500000000e+00, v12  }
0x50: {  	v13 =	vsub.f32 $1.500000000e+00, v13  }
0x51: {  	v10 =	vmul.f32 v10, v12  }
0x52: {  	v11 =	vmul.f32 v11, v13  }
0x53: {  	v12 =	vmul.f32 v10, v7  }
0x54: {  	v13 =	vmul.f32 v11, v9  }
0x55: {  	v12 =	vmul.f32 v12, v10  }
0x56: {  	v13 =	vmul.f32 v13, v11  }
0x57: {  	v12 =	vsub.f32 $1.500000000e+00, v12  }
0x58: {  	v13 =	vsub.f32 $1.500000000e+00, v13  }
0x59: {  	v10 =	vmul.f32 v12, v10  }
0x5a: {  	v11 =	vmul.f32 v13, v11  }
0x5b: {  	v7 =	vmul.f32 v10, v7  }
0x5c: {  	v9 =	vmul.f32 v11, v9  }
0x5d: {  	v7 =	vmul.f32 v7, v10  }
0x5e: {  	v9 =	vmul.f32 v9, v11  }
0x5f: {  	v7 =	vsub.f32 $1.500000000e+00, v7  }
0x60: {  	v9 =	vsub.f32 $1.500000000e+00, v9  }
0x61: {  	v7 =	vmul.f32 v7, v10  }
0x62: {  	v9 =	vmul.f32 v9, v11  }
0x63: {  	v4 =	vmul.f32 v7, v4;
	v7 =	vmul.f32 v7, v6  }
0x64: {  	s21 =	simm.s32 $0x0;
	s22 =	simm.s32 $0x260;
	v6 =	vmul.f32 v9, v8;
	v5 =	vmul.f32 v9, v5  }
.LBB2_2:
0x65: {  	v8 =	vld [tilespmem:s22+$0xFFFFFFF0];
	s21 =	sadd.s32 $0x2, s21;
	[tilespmem:s20+$0x10] =	vst v7  }
0x66: {  	v7 =	vld [tilespmem:s22+$0x10];
	p0 =	slt.u32 s21, $0x1FE;
	[tilespmem:s20+$0x0] =	vst v4  }
0x67: {  	v4 =	vld [tilespmem:s22+$0x0];
	[tilespmem:s20+$0xFFFFFFE0] =	vst v6  }
0x68: {  	v6 =	vld [tilespmem:s22+$0xFFFFFFE0];
	[tilespmem:s20+$0xFFFFFFF0] =	vst v5;
	s20 =	smov.u32 s22;
	_ =	sdelay $0x2  }
0x69: {  	v5 =	vmul.f32 v7, v7  }
0x6a: {  	v9 =	vmul.f32 v8, v8;
	v10 =	vmul.f32 v4, v4  }
0x6b: {  	v11 =	vmul.f32 v6, v6  }
0x6c: {  	v5 =	vadd.f32 v5, v10  }
0x6d: {  	v9 =	vadd.f32 v9, v11  }
0x6e: {  	v10 =	vperm.xlane v5, v0  }
0x6f: {  	v11 =	vperm.xlane v9, v0  }
0x70: {  	v5 =	vadd.f32 v5, v10  }
0x71: {  	v9 =	vadd.f32 v9, v11  }
0x72: {  	v10 =	vperm.xlane v5, v1  }
0x73: {  	v11 =	vperm.xlane v9, v1  }
0x74: {  	v5 =	vadd.f32 v5, v10  }
0x75: {  	v9 =	vadd.f32 v9, v11  }
0x76: {  	v10 =	vperm.xlane v5, v2  }
0x77: {  	v11 =	vperm.xlane v9, v2  }
0x78: {  	v5 =	vadd.f32 v5, v10  }
0x79: {  	v9 =	vadd.f32 v9, v11  }
0x7a: {  	v10 =	vperm.xlane v5, v3  }
0x7b: {  	v11 =	vperm.xlane v9, v3  }
0x7c: {  	v5 =	vadd.f32 v5, v10  }
0x7d: {  	v9 =	vadd.f32 v9, v11  }
0x7e: {  	v10 =	vshrl.u32 v5, $0x1;
	v5 =	vmul.f32 $5.000000000e-01, v5  }
0x7f: {  	v11 =	vshrl.u32 v9, $0x1;
	v9 =	vmul.f32 $5.000000000e-01, v9;
	v10 =	vsub.s32 $0x5F3759DF, v10  }
0x80: {  	v11 =	vsub.s32 $0x5F3759DF, v11;
	v12 =	vmul.f32 v10, v5  }
0x81: {  	v13 =	vmul.f32 v11, v9  }
0x82: {  	v12 =	vmul.f32 v10, v12  }
0x83: {  	v13 =	vmul.f32 v11, v13  }
0x84: {  	v12 =	vsub.f32 $1.500000000e+00, v12  }
0x85: {  	v13 =	vsub.f32 $1.500000000e+00, v13  }
0x86: {  	v10 =	vmul.f32 v10, v12  }
0x87: {  	v11 =	vmul.f32 v11, v13  }
0x88: {  	v12 =	vmul.f32 v10, v5  }
0x89: {  	v13 =	vmul.f32 v11, v9  }
0x8a: {  	v12 =	vmul.f32 v12, v10  }
0x8b: {  	v13 =	vmul.f32 v13, v11  }
0x8c: {  	v12 =	vsub.f32 $1.500000000e+00, v12  }
0x8d: {  	v13 =	vsub.f32 $1.500000000e+00, v13  }
0x8e: {  	v10 =	vmul.f32 v12, v10  }
0x8f: {  	v11 =	vmul.f32 v13, v11  }
0x90: {  	v5 =	vmul.f32 v10, v5  }
0x91: {  	v9 =	vmul.f32 v11, v9  }
0x92: {  	v5 =	vmul.f32 v5, v10  }
0x93: {  	v9 =	vmul.f32 v9, v11  }
0x94: {  	v5 =	vsub.f32 $1.500000000e+00, v5  }
.Ltmp0:
0x95: {  	v9 =	vsub.f32 $1.500000000e+00, v9;
	(pc) =	sbr.rel @p0 .LBB2_2-.Ltmp0, $4  }
0x96: {  	v5 =	vmul.f32 v5, v10  }
0x97: {  	v9 =	vmul.f32 v9, v11  }
0x98: {  	v4 =	vmul.f32 v5, v4;
	v7 =	vmul.f32 v5, v7  }
0x99: {  	s22 =	sadd.s32 $0x40, s22;
	v6 =	vmul.f32 v9, v6;
	v5 =	vmul.f32 v9, v8  }
0x9a: {  	[tilespmem:s20+$0x10] =	vst v7  }
0x9b: {  	[tilespmem:s20+$0x0] =	vst v4;
	s19 =	sadd.s32 $0x1, s19  }
0x9c: {  	[tilespmem:s20+$0xFFFFFFE0] =	vst v6;
	p0 =	sne.s32 s19, s9  }
.Ltmp1:
0x9d: {  	[tilespmem:s20+$0xFFFFFFF0] =	vst v5;
	(pc) =	sbr.rel @p0 .LBB2_1-.Ltmp1, $4  }
0x9e: {  	[hbm4b:s8+s1] =	stream.linear.scatter [tilespmem:s14], [sflag:$0x2], $0x4000, $0x38;
	[tilespmem:$0x4200] =	vst v63  }
0x9f: {  	_ =	swait.ge [sflag:s10], $0x4000  }
0xa0: {  	[sflag:s10] =	ssyncset.done $0x0  }
0xa1: {  	[sflag:s10] =	ssyncadd.s32 $0xFFFFC000  }
0xa2: {  	_ =	sfence.sel $0x180000  }
0xa3: {  	[bflag:$0x0] =	sbarrier.arrive $0xFFFF  }
0xa4: {  	p0 =	sne.s32 s0, $0x0;
	_ =	strace $0x90000047  }
0xa5: {  	s0 =	sadd.s32 @!p0 $0x100000, s2;
	[bflag:$0x2] =	sbarrier.arrive $0xFFFF  }
0xa6: {  	[sflag:s0] =	ssyncadd.tile.s32 @!p0 $0x1;
	_ =	shalt  }
.Lfunc_end2:
_tile_overlayer_lowered:
.L_overlay_start_2:
0xa7: {  	(tag) =	ssettag $0x2  }
0xa8: {  	s0 =	rddreg [dreg:$0x0];
	s2 =	stileid.u32  }
0xa9: {  	s1 =	rddreg [dreg:$0x1];
	p0 =	sne.s32 s2, $0x0  }
0xaa: {  	s3 =	rddreg [dreg:$0x2];
	[bflag:$0x3] =	sbarrier.arrive $0xFFFF;
	s2 =	simm.s32 @!p0 $0x1C02  }
0xab: {  	[timem:s3], [sflag:s2] =	dma.local @!p0 [hbm:s0], s1  }
0xac: {  	s0 =	simm.s32 @!p0 $0x2  }
0xad: {  	_ =	swait.ge @!p0 [sflag:s0], s1  }
0xae: {  	s1 =	ssub.s32 @!p0 $0x0, s1;
	[sflag:s0] =	ssyncset.done @!p0 $0x0  }
0xaf: {  	[sflag:s0] =	ssyncadd.s32 @!p0 s1  }
0xb0: {  	[bflag:$0x3] =	sbarrier.arrive $0xFFFF  }
0xb1: {  	_ =	shalt  }

</sc_bundles>
